<compile_context>
chip_gen: v7x
topology: tpu7x:2x2x1
jax: 0.10.2.dev20260603
libtpu: 0.0.44.dev20260713+nightly
codegen_flags: <defaults>
</compile_context>

<pallas_src>
import jax
import jax.numpy as jnp
from jax.experimental import pallas as pl
from jax.experimental.pallas import tpu as pltpu

_N = 5000
_B = 512
_NP = 5120
_NB = _NP // _B
_THR = 0.65
_STRIDE = 32.0


def _decode_rows(raw):
    cx = raw[0:1, :] * 64.0 + 512.0
    cy = raw[1:2, :] * 64.0 + 512.0
    w = jnp.exp(jnp.clip(raw[2:3, :], -4.0, 4.0)) * _STRIDE
    h = jnp.exp(jnp.clip(raw[3:4, :], -4.0, 4.0)) * _STRIDE
    x1 = cx - w * 0.5
    y1 = cy - h * 0.5
    x2 = cx + w * 0.5
    y2 = cy + h * 0.5
    return x1, y1, x2, y2, (x2 - x1) * (y2 - y1)


def _decode_cols(raw):
    cx = raw[:, 0:1] * 64.0 + 512.0
    cy = raw[:, 1:2] * 64.0 + 512.0
    w = jnp.exp(jnp.clip(raw[:, 2:3], -4.0, 4.0)) * _STRIDE
    h = jnp.exp(jnp.clip(raw[:, 3:4], -4.0, 4.0)) * _STRIDE
    x1 = cx - w * 0.5
    y1 = cy - h * 0.5
    x2 = cx + w * 0.5
    y2 = cy + h * 0.5
    return x1, y1, x2, y2, (x2 - x1) * (y2 - y1)


def _iou(bx1, by1, bx2, by2, ba, x1, y1, x2, y2, area):
    ix1 = jnp.maximum(bx1, x1)
    iy1 = jnp.maximum(by1, y1)
    ix2 = jnp.minimum(bx2, x2)
    iy2 = jnp.minimum(by2, y2)
    inter = jnp.maximum(ix2 - ix1, 0.0) * jnp.maximum(iy2 - iy1, 0.0)
    return inter / (ba + area - inter + 1e-7)


def _nms_kernel(raw_t_ref, raw_ref, out_ref, alive_ref, coords_ref):
    raw_t = raw_t_ref[...]
    p = raw_t[4:5, :]

    x1, y1, x2, y2, area = _decode_rows(raw_t)
    coords_ref[...] = jnp.concatenate(
        [x1, y1, x2, y2, area, p, p, p], axis=0)
    rowi = jax.lax.broadcasted_iota(jnp.int32, (_B, _B), 0)
    coli = jax.lax.broadcasted_iota(jnp.int32, (_B, _B), 1)
    tri = (rowi < coli).astype(jnp.float32)

    alive_ref[...] = jnp.ones((1, _NP), jnp.float32)

    def block_body(i, carry):
        off = i * _B
        blk = raw_ref[pl.ds(off, _B), :]
        bx1, by1, bx2, by2, ba = _decode_cols(blk)
        blk_c = coords_ref[:, pl.ds(off, _B)]
        rx1, ry1 = blk_c[0:1, :], blk_c[1:2, :]
        rx2, ry2 = blk_c[2:3, :], blk_c[3:4, :]
        rarea = blk_c[4:5, :]

        mf = (_iou(bx1, by1, bx2, by2, ba,
                   rx1, ry1, rx2, ry2, rarea) > _THR).astype(jnp.float32)
        mf = mf * tri

        blk_alive = alive_ref[:, pl.ds(off, _B)]

        def fix_cond(c):
            return c[1]

        def fix_body(c):
            k, _ = c
            hit = jnp.dot(k, mf, preferred_element_type=jnp.float32)
            k_new = blk_alive * (hit <= 0.0).astype(jnp.float32)
            return k_new, jnp.any(k_new != k)

        k, _ = jax.lax.while_loop(fix_cond, fix_body,
                                  (blk_alive, jnp.bool_(True)))
        alive_ref[:, pl.ds(off, _B)] = k

        def col_body(j, c2):
            joff = j * _B
            ct = coords_ref[:, pl.ds(joff, _B)]
            cx1, cy1 = ct[0:1, :], ct[1:2, :]
            cx2, cy2 = ct[2:3, :], ct[3:4, :]
            car = ct[4:5, :]
            supf = (_iou(bx1, by1, bx2, by2, ba,
                         cx1, cy1, cx2, cy2, car) > _THR).astype(jnp.float32)
            cross = jnp.dot(k, supf, preferred_element_type=jnp.float32)
            alive_ref[:, pl.ds(joff, _B)] = (
                alive_ref[:, pl.ds(joff, _B)]
                * (cross <= 0.0).astype(jnp.float32))
            return c2

        return jax.lax.fori_loop(i + 1, _NB, col_body, carry)

    jax.lax.fori_loop(0, _NB, block_body, 0)

    keep = alive_ref[...]
    zeros = jnp.zeros((3, _NP), jnp.float32)
    out_ref[...] = jnp.concatenate(
        [x1 * keep, y1 * keep, x2 * keep, y2 * keep, p * keep, zeros], axis=0)


def kernel(boxes, scores):
    n = boxes.shape[0]
    probs = jax.nn.sigmoid(scores)
    order = jnp.argsort(-probs)
    cat = jnp.concatenate([boxes, probs[:, None]], axis=1)
    s5 = jnp.pad(cat[order], ((0, _NP - n), (0, 0)))
    out = pl.pallas_call(
        _nms_kernel,
        out_shape=jax.ShapeDtypeStruct((8, _NP), jnp.float32),
        scratch_shapes=[pltpu.VMEM((1, _NP), jnp.float32),
                        pltpu.VMEM((8, _NP), jnp.float32)],
    )(s5.T, s5)
    return out[:5, :n].T

# --- scband reference (transcript-rebuilt; emitter-appended) ---
"""Pipeline reference for scband-yoloxpose-head-46411416600624 (READ-ONLY COPY).

The authoritative reference and input builder live on the scoring server;
editing this copy changes nothing except your own understanding.
"""

import jax, jax.numpy as jnp
import numpy as np

N = 5000
IOU_THR = 0.65
STRIDE = 32.0


def setup_inputs(seed: int = 0) -> dict:
    key = jax.random.key(seed)
    k1, k2 = jax.random.split(key)
    boxes = jax.random.normal(k1, (N, 4), dtype=jnp.float32)
    scores = jax.random.normal(k2, (N,), dtype=jnp.float32)
    return {"boxes": boxes, "scores": scores}


def _decode(raw):
    # YOLOX-style decode: raw = (dx, dy, dw, dh) regression outputs.
    cx = raw[:, 0] * 64.0 + 512.0
    cy = raw[:, 1] * 64.0 + 512.0
    w = jnp.exp(jnp.clip(raw[:, 2], -4.0, 4.0)) * STRIDE
    h = jnp.exp(jnp.clip(raw[:, 3], -4.0, 4.0)) * STRIDE
    x1 = cx - w * 0.5
    y1 = cy - h * 0.5
    x2 = cx + w * 0.5
    y2 = cy + h * 0.5
    return jnp.stack([x1, y1, x2, y2], axis=1)


def _iou_one_to_many(box, boxes):
    ix1 = jnp.maximum(box[0], boxes[:, 0])
    iy1 = jnp.maximum(box[1], boxes[:, 1])
    ix2 = jnp.minimum(box[2], boxes[:, 2])
    iy2 = jnp.minimum(box[3], boxes[:, 3])
    inter = jnp.clip(ix2 - ix1, 0.0) * jnp.clip(iy2 - iy1, 0.0)
    a1 = (box[2] - box[0]) * (box[3] - box[1])
    a2 = (boxes[:, 2] - boxes[:, 0]) * (boxes[:, 3] - boxes[:, 1])
    return inter / (a1 + a2 - inter + 1e-7)


def reference(boxes, scores):
    n = boxes.shape[0]
    probs = jax.nn.sigmoid(scores)
    dec = _decode(boxes)
    order = jnp.argsort(-probs)
    b = dec[order]
    s = probs[order]
    idx = jnp.arange(n)

    def body(i, keep):
        iou = _iou_one_to_many(b[i], b)
        sup = (iou > IOU_THR) & (idx > i) & keep[i]
        return keep & (~sup)

    keep = jax.lax.fori_loop(0, n, body, jnp.ones((n,), dtype=bool))
    km = keep.astype(b.dtype)
    out = jnp.concatenate([b * km[:, None], (s * km)[:, None]], axis=1)
    return out

if __name__ == "__main__":
    import jax
    _d = setup_inputs()
    print(jax.jit(kernel)(*tuple(_d.values())))

</pallas_src>

<mosaic_0001>
module attributes {stable_mosaic.version = 14 : i64} {
  func.func @_nms_kernel(%arg0: memref<5x5120xf32, #tpu.memory_space<vmem>>, %arg1: memref<5120x5xf32, #tpu.memory_space<vmem>>, %arg2: memref<8x5120xf32, #tpu.memory_space<vmem>>, %arg3: memref<1x5120xf32, #tpu.memory_space<vmem>>, %arg4: memref<8x5120xf32, #tpu.memory_space<vmem>>) attributes {dimension_semantics = [], scalar_prefetch = 0 : i64, scratch_operands = 2 : i64, tpu.core_type = #tpu.core_type<tc>} {
    %get3A = arith.constant 0 : index
    %get3A_0 = arith.constant 0 : index
    %get3A_1 = vector.load %arg0[%get3A, %get3A_0] : memref<5x5120xf32, #tpu.memory_space<vmem>>, vector<5x5120xf32>
    %slice3A = vector.extract_strided_slice %get3A_1 {offsets = [4, 0], sizes = [1, 5120], strides = [1, 1]} : vector<5x5120xf32> to vector<1x5120xf32>
    %slice3A_2 = vector.extract_strided_slice %get3A_1 {offsets = [0, 0], sizes = [1, 5120], strides = [1, 1]} : vector<5x5120xf32> to vector<1x5120xf32>
    %mul3A = arith.constant 6.400000e+01 : f32
    %mul3A_3 = vector.broadcast %mul3A : f32 to vector<1x5120xf32>
    %mul3A_4 = arith.mulf %slice3A_2, %mul3A_3 : vector<1x5120xf32>
    %add3A = arith.constant 5.120000e+02 : f32
    %add3A_5 = vector.broadcast %add3A : f32 to vector<1x5120xf32>
    %add3A_6 = arith.addf %mul3A_4, %add3A_5 : vector<1x5120xf32>
    %slice3A_7 = vector.extract_strided_slice %get3A_1 {offsets = [1, 0], sizes = [1, 5120], strides = [1, 1]} : vector<5x5120xf32> to vector<1x5120xf32>
    %mul3A_8 = arith.constant 6.400000e+01 : f32
    %mul3A_9 = vector.broadcast %mul3A_8 : f32 to vector<1x5120xf32>
    %mul3A_10 = arith.mulf %slice3A_7, %mul3A_9 : vector<1x5120xf32>
    %add3A_11 = arith.constant 5.120000e+02 : f32
    %add3A_12 = vector.broadcast %add3A_11 : f32 to vector<1x5120xf32>
    %add3A_13 = arith.addf %mul3A_10, %add3A_12 : vector<1x5120xf32>
    %slice3A_14 = vector.extract_strided_slice %get3A_1 {offsets = [2, 0], sizes = [1, 5120], strides = [1, 1]} : vector<5x5120xf32> to vector<1x5120xf32>
    %jit3A = arith.constant -4.000000e+00 : f32
    %jit3A_15 = arith.constant 4.000000e+00 : f32
    %max3A = vector.broadcast %jit3A : f32 to vector<1x5120xf32>
    %max3A_16 = arith.maximumf %max3A, %slice3A_14 : vector<1x5120xf32>
    %min3A = vector.broadcast %jit3A_15 : f32 to vector<1x5120xf32>
    %min3A_17 = arith.minimumf %min3A, %max3A_16 : vector<1x5120xf32>
    %exp3A = math.exp %min3A_17 : vector<1x5120xf32>
    %mul3A_18 = arith.constant 3.200000e+01 : f32
    %mul3A_19 = vector.broadcast %mul3A_18 : f32 to vector<1x5120xf32>
    %mul3A_20 = arith.mulf %exp3A, %mul3A_19 : vector<1x5120xf32>
    %slice3A_21 = vector.extract_strided_slice %get3A_1 {offsets = [3, 0], sizes = [1, 5120], strides = [1, 1]} : vector<5x5120xf32> to vector<1x5120xf32>
    %jit3A_22 = arith.constant -4.000000e+00 : f32
    %jit3A_23 = arith.constant 4.000000e+00 : f32
    %max3A_24 = vector.broadcast %jit3A_22 : f32 to vector<1x5120xf32>
    %max3A_25 = arith.maximumf %max3A_24, %slice3A_21 : vector<1x5120xf32>
    %min3A_26 = vector.broadcast %jit3A_23 : f32 to vector<1x5120xf32>
    %min3A_27 = arith.minimumf %min3A_26, %max3A_25 : vector<1x5120xf32>
    %exp3A_28 = math.exp %min3A_27 : vector<1x5120xf32>
    %mul3A_29 = arith.constant 3.200000e+01 : f32
    %mul3A_30 = vector.broadcast %mul3A_29 : f32 to vector<1x5120xf32>
    %mul3A_31 = arith.mulf %exp3A_28, %mul3A_30 : vector<1x5120xf32>
    %mul3A_32 = arith.constant 5.000000e-01 : f32
    %mul3A_33 = vector.broadcast %mul3A_32 : f32 to vector<1x5120xf32>
    %mul3A_34 = arith.mulf %mul3A_20, %mul3A_33 : vector<1x5120xf32>
    %sub3A = arith.subf %add3A_6, %mul3A_34 : vector<1x5120xf32>
    %mul3A_35 = arith.constant 5.000000e-01 : f32
    %mul3A_36 = vector.broadcast %mul3A_35 : f32 to vector<1x5120xf32>
    %mul3A_37 = arith.mulf %mul3A_31, %mul3A_36 : vector<1x5120xf32>
    %sub3A_38 = arith.subf %add3A_13, %mul3A_37 : vector<1x5120xf32>
    %mul3A_39 = arith.constant 5.000000e-01 : f32
    %mul3A_40 = vector.broadcast %mul3A_39 : f32 to vector<1x5120xf32>
    %mul3A_41 = arith.mulf %mul3A_20, %mul3A_40 : vector<1x5120xf32>
    %add3A_42 = arith.addf %add3A_6, %mul3A_41 : vector<1x5120xf32>
    %mul3A_43 = arith.constant 5.000000e-01 : f32
    %mul3A_44 = vector.broadcast %mul3A_43 : f32 to vector<1x5120xf32>
    %mul3A_45 = arith.mulf %mul3A_31, %mul3A_44 : vector<1x5120xf32>
    %add3A_46 = arith.addf %add3A_13, %mul3A_45 : vector<1x5120xf32>
    %sub3A_47 = arith.subf %add3A_42, %sub3A : vector<1x5120xf32>
    %sub3A_48 = arith.subf %add3A_46, %sub3A_38 : vector<1x5120xf32>
    %mul3A_49 = arith.mulf %sub3A_47, %sub3A_48 : vector<1x5120xf32>
    %concatenate3A = tpu.concatenate %sub3A, %sub3A_38, %add3A_42, %add3A_46, %mul3A_49, %slice3A, %slice3A, %slice3A in 0 : vector<1x5120xf32>, vector<1x5120xf32>, vector<1x5120xf32>, vector<1x5120xf32>, vector<1x5120xf32>, vector<1x5120xf32>, vector<1x5120xf32>, vector<1x5120xf32> -> vector<8x5120xf32>
    %swap3A = arith.constant 0 : index
    %swap3A_50 = arith.constant 0 : index
    %swap3A_51 = vector.load %arg4[%swap3A, %swap3A_50] : memref<8x5120xf32, #tpu.memory_space<vmem>>, vector<8x5120xf32>
    tpu.vector_store %arg4[%swap3A, %swap3A_50], %concatenate3A {strides = array<i32>} : memref<8x5120xf32, #tpu.memory_space<vmem>>, vector<8x5120xf32>,
    %iota3A = tpu.iota {dimensions = array<i32: 0>} : vector<512x512xi32>
    %iota3A_52 = tpu.iota {dimensions = array<i32: 1>} : vector<512x512xi32>
    %lt3A = arith.cmpi slt, %iota3A, %iota3A_52 : vector<512x512xi32>
    %convert_element_type3A = arith.extui %lt3A : vector<512x512xi1> to vector<512x512xi32>
    %convert_element_type3A_53 = arith.sitofp %convert_element_type3A : vector<512x512xi32> to vector<512x512xf32>
    %broadcast_in_dim3A = arith.constant 1.000000e+00 : f32
    %broadcast_in_dim3A_54 = vector.broadcast %broadcast_in_dim3A : f32 to vector<1x5120xf32>
    %swap3A_55 = arith.constant 0 : index
    %swap3A_56 = arith.constant 0 : index
    %swap3A_57 = vector.load %arg3[%swap3A_55, %swap3A_56] : memref<1x5120xf32, #tpu.memory_space<vmem>>, vector<1x5120xf32>
    tpu.vector_store %arg3[%swap3A_55, %swap3A_56], %broadcast_in_dim3A_54 {strides = array<i32>} : memref<1x5120xf32, #tpu.memory_space<vmem>>, vector<1x5120xf32>,
    %scan3A = arith.constant 0 : i32
    %scan3A_58 = arith.constant 0 : i32
    %scan3A_59 = arith.constant 10 : i32
    %scan3A_60 = arith.addi %scan3A_58, %scan3A_59 : i32
    %scan3A_61 = arith.constant 1 : i32
    scf.for %scan3A_77 = %scan3A_58 to %scan3A_60 step %scan3A_61  : i32 {
      %mul3A_78 = arith.constant 512 : i32
      %mul3A_79 = arith.muli %scan3A_77, %mul3A_78 : i32
      %get3A_80 = arith.index_cast %mul3A_79 : i32 to index
      %get3A_81 = arith.constant 0 : index
      %get3A_82 = vector.load %arg1[%get3A_80, %get3A_81] : memref<5120x5xf32, #tpu.memory_space<vmem>>, vector<512x5xf32>
      %slice3A_83 = vector.extract_strided_slice %get3A_82 {offsets = [0, 0], sizes = [512, 1], strides = [1, 1]} : vector<512x5xf32> to vector<512x1xf32>
      %mul3A_84 = arith.constant 6.400000e+01 : f32
      %mul3A_85 = vector.broadcast %mul3A_84 : f32 to vector<512x1xf32>
      %mul3A_86 = arith.mulf %slice3A_83, %mul3A_85 : vector<512x1xf32>
      %add3A_87 = arith.constant 5.120000e+02 : f32
      %add3A_88 = vector.broadcast %add3A_87 : f32 to vector<512x1xf32>
      %add3A_89 = arith.addf %mul3A_86, %add3A_88 : vector<512x1xf32>
      %slice3A_90 = vector.extract_strided_slice %get3A_82 {offsets = [0, 1], sizes = [512, 1], strides = [1, 1]} : vector<512x5xf32> to vector<512x1xf32>
      %mul3A_91 = arith.constant 6.400000e+01 : f32
      %mul3A_92 = vector.broadcast %mul3A_91 : f32 to vector<512x1xf32>
      %mul3A_93 = arith.mulf %slice3A_90, %mul3A_92 : vector<512x1xf32>
      %add3A_94 = arith.constant 5.120000e+02 : f32
      %add3A_95 = vector.broadcast %add3A_94 : f32 to vector<512x1xf32>
      %add3A_96 = arith.addf %mul3A_93, %add3A_95 : vector<512x1xf32>
      %slice3A_97 = vector.extract_strided_slice %get3A_82 {offsets = [0, 2], sizes = [512, 1], strides = [1, 1]} : vector<512x5xf32> to vector<512x1xf32>
      %jit3A_98 = arith.constant -4.000000e+00 : f32
      %jit3A_99 = arith.constant 4.000000e+00 : f32
      %max3A_100 = vector.broadcast %jit3A_98 : f32 to vector<512x1xf32>
      %max3A_101 = arith.maximumf %max3A_100, %slice3A_97 : vector<512x1xf32>
      %min3A_102 = vector.broadcast %jit3A_99 : f32 to vector<512x1xf32>
      %min3A_103 = arith.minimumf %min3A_102, %max3A_101 : vector<512x1xf32>
      %exp3A_104 = math.exp %min3A_103 : vector<512x1xf32>
      %mul3A_105 = arith.constant 3.200000e+01 : f32
      %mul3A_106 = vector.broadcast %mul3A_105 : f32 to vector<512x1xf32>
      %mul3A_107 = arith.mulf %exp3A_104, %mul3A_106 : vector<512x1xf32>
      %slice3A_108 = vector.extract_strided_slice %get3A_82 {offsets = [0, 3], sizes = [512, 1], strides = [1, 1]} : vector<512x5xf32> to vector<512x1xf32>
      %jit3A_109 = arith.constant -4.000000e+00 : f32
      %jit3A_110 = arith.constant 4.000000e+00 : f32
      %max3A_111 = vector.broadcast %jit3A_109 : f32 to vector<512x1xf32>
      %max3A_112 = arith.maximumf %max3A_111, %slice3A_108 : vector<512x1xf32>
      %min3A_113 = vector.broadcast %jit3A_110 : f32 to vector<512x1xf32>
      %min3A_114 = arith.minimumf %min3A_113, %max3A_112 : vector<512x1xf32>
      %exp3A_115 = math.exp %min3A_114 : vector<512x1xf32>
      %mul3A_116 = arith.constant 3.200000e+01 : f32
      %mul3A_117 = vector.broadcast %mul3A_116 : f32 to vector<512x1xf32>
      %mul3A_118 = arith.mulf %exp3A_115, %mul3A_117 : vector<512x1xf32>
      %mul3A_119 = arith.constant 5.000000e-01 : f32
      %mul3A_120 = vector.broadcast %mul3A_119 : f32 to vector<512x1xf32>
      %mul3A_121 = arith.mulf %mul3A_107, %mul3A_120 : vector<512x1xf32>
      %sub3A_122 = arith.subf %add3A_89, %mul3A_121 : vector<512x1xf32>
      %mul3A_123 = arith.constant 5.000000e-01 : f32
      %mul3A_124 = vector.broadcast %mul3A_123 : f32 to vector<512x1xf32>
      %mul3A_125 = arith.mulf %mul3A_118, %mul3A_124 : vector<512x1xf32>
      %sub3A_126 = arith.subf %add3A_96, %mul3A_125 : vector<512x1xf32>
      %mul3A_127 = arith.constant 5.000000e-01 : f32
      %mul3A_128 = vector.broadcast %mul3A_127 : f32 to vector<512x1xf32>
      %mul3A_129 = arith.mulf %mul3A_107, %mul3A_128 : vector<512x1xf32>
      %add3A_130 = arith.addf %add3A_89, %mul3A_129 : vector<512x1xf32>
      %mul3A_131 = arith.constant 5.000000e-01 : f32
      %mul3A_132 = vector.broadcast %mul3A_131 : f32 to vector<512x1xf32>
      %mul3A_133 = arith.mulf %mul3A_118, %mul3A_132 : vector<512x1xf32>
      %add3A_134 = arith.addf %add3A_96, %mul3A_133 : vector<512x1xf32>
      %sub3A_135 = arith.subf %add3A_130, %sub3A_122 : vector<512x1xf32>
      %sub3A_136 = arith.subf %add3A_134, %sub3A_126 : vector<512x1xf32>
      %mul3A_137 = arith.mulf %sub3A_135, %sub3A_136 : vector<512x1xf32>
      %get3A_138 = arith.constant 0 : index
      %get3A_139 = arith.index_cast %mul3A_79 : i32 to index
      %get3A_140 = vector.load %arg4[%get3A_138, %get3A_139] : memref<8x5120xf32, #tpu.memory_space<vmem>>, vector<8x512xf32>
      %slice3A_141 = vector.extract_strided_slice %get3A_140 {offsets = [0, 0], sizes = [1, 512], strides = [1, 1]} : vector<8x512xf32> to vector<1x512xf32>
      %slice3A_142 = vector.extract_strided_slice %get3A_140 {offsets = [1, 0], sizes = [1, 512], strides = [1, 1]} : vector<8x512xf32> to vector<1x512xf32>
      %slice3A_143 = vector.extract_strided_slice %get3A_140 {offsets = [2, 0], sizes = [1, 512], strides = [1, 1]} : vector<8x512xf32> to vector<1x512xf32>
      %slice3A_144 = vector.extract_strided_slice %get3A_140 {offsets = [3, 0], sizes = [1, 512], strides = [1, 1]} : vector<8x512xf32> to vector<1x512xf32>
      %slice3A_145 = vector.extract_strided_slice %get3A_140 {offsets = [4, 0], sizes = [1, 512], strides = [1, 1]} : vector<8x512xf32> to vector<1x512xf32>
      %max3A_146 = vector.broadcast %sub3A_122 : vector<512x1xf32> to vector<512x512xf32>
      %max3A_147 = vector.broadcast %slice3A_141 : vector<1x512xf32> to vector<512x512xf32>
      %max3A_148 = arith.maximumf %max3A_146, %max3A_147 : vector<512x512xf32>
      %max3A_149 = vector.broadcast %sub3A_126 : vector<512x1xf32> to vector<512x512xf32>
      %max3A_150 = vector.broadcast %slice3A_142 : vector<1x512xf32> to vector<512x512xf32>
      %max3A_151 = arith.maximumf %max3A_149, %max3A_150 : vector<512x512xf32>
      %min3A_152 = vector.broadcast %add3A_130 : vector<512x1xf32> to vector<512x512xf32>
      %min3A_153 = vector.broadcast %slice3A_143 : vector<1x512xf32> to vector<512x512xf32>
      %min3A_154 = arith.minimumf %min3A_152, %min3A_153 : vector<512x512xf32>
      %min3A_155 = vector.broadcast %add3A_134 : vector<512x1xf32> to vector<512x512xf32>
      %min3A_156 = vector.broadcast %slice3A_144 : vector<1x512xf32> to vector<512x512xf32>
      %min3A_157 = arith.minimumf %min3A_155, %min3A_156 : vector<512x512xf32>
      %sub3A_158 = arith.subf %min3A_154, %max3A_148 : vector<512x512xf32>
      %max3A_159 = arith.constant 0.000000e+00 : f32
      %max3A_160 = vector.broadcast %max3A_159 : f32 to vector<512x512xf32>
      %max3A_161 = arith.maximumf %sub3A_158, %max3A_160 : vector<512x512xf32>
      %sub3A_162 = arith.subf %min3A_157, %max3A_151 : vector<512x512xf32>
      %max3A_163 = arith.constant 0.000000e+00 : f32
      %max3A_164 = vector.broadcast %max3A_163 : f32 to vector<512x512xf32>
      %max3A_165 = arith.maximumf %sub3A_162, %max3A_164 : vector<512x512xf32>
      %mul3A_166 = arith.mulf %max3A_161, %max3A_165 : vector<512x512xf32>
      %add3A_167 = vector.broadcast %mul3A_137 : vector<512x1xf32> to vector<512x512xf32>
      %add3A_168 = vector.broadcast %slice3A_145 : vector<1x512xf32> to vector<512x512xf32>
      %add3A_169 = arith.addf %add3A_167, %add3A_168 : vector<512x512xf32>
      %sub3A_170 = arith.subf %add3A_169, %mul3A_166 : vector<512x512xf32>
      %add3A_171 = arith.constant 1.000000e-07 : f32
      %add3A_172 = vector.broadcast %add3A_171 : f32 to vector<512x512xf32>
      %add3A_173 = arith.addf %sub3A_170, %add3A_172 : vector<512x512xf32>
      %div3A = arith.divf %mul3A_166, %add3A_173 : vector<512x512xf32>
      %gt3A = arith.constant 6.500000e-01 : f32
      %gt3A_174 = vector.broadcast %gt3A : f32 to vector<512x512xf32>
      %gt3A_175 = arith.cmpf ogt, %div3A, %gt3A_174 : vector<512x512xf32>
      %convert_element_type3A_176 = arith.extui %gt3A_175 : vector<512x512xi1> to vector<512x512xi32>
      %convert_element_type3A_177 = arith.sitofp %convert_element_type3A_176 : vector<512x512xi32> to vector<512x512xf32>
      %mul3A_178 = arith.mulf %convert_element_type3A_177, %convert_element_type3A_53 : vector<512x512xf32>
      %get3A_179 = arith.constant 0 : index
      %get3A_180 = arith.index_cast %mul3A_79 : i32 to index
      %get3A_181 = vector.load %arg3[%get3A_179, %get3A_180] : memref<1x5120xf32, #tpu.memory_space<vmem>>, vector<1x512xf32>
      %while3A = arith.constant true
      %while3A_182:2 = scf.while (%while3A_197 = %get3A_181, %while3A_198 = %while3A) : (vector<1x512xf32>, i1) -> (vector<1x512xf32>, i1) {
        scf.condition(%while3A_198) %while3A_197, %while3A_198 : vector<1x512xf32>, i1
      } do {
      ^bb0(%while3A_197: vector<1x512xf32>, %while3A_198: i1):
        %dot_general3A = arith.constant dense<0.000000e+00> : vector<1x512xf32>
        %dot_general3A_199 = tpu.matmul %while3A_197, %mul3A_178, %dot_general3A {dimension_numbers = #tpu.dot_dimension_numbers<[1], [0], [0], [1], [0, 0, 1, 1], [], []>, transpose_lhs_hint = false} : vector<1x512xf32>, vector<512x512xf32>, vector<1x512xf32> -> vector<1x512xf32>
        %le3A = arith.constant 0.000000e+00 : f32
        %le3A_200 = vector.broadcast %le3A : f32 to vector<1x512xf32>
        %le3A_201 = arith.cmpf ole, %dot_general3A_199, %le3A_200 : vector<1x512xf32>
        %convert_element_type3A_202 = arith.extui %le3A_201 : vector<1x512xi1> to vector<1x512xi32>
        %convert_element_type3A_203 = arith.sitofp %convert_element_type3A_202 : vector<1x512xi32> to vector<1x512xf32>
        %mul3A_204 = arith.mulf %get3A_181, %convert_element_type3A_203 : vector<1x512xf32>
        %ne3A = arith.cmpf one, %mul3A_204, %while3A_197 : vector<1x512xf32>
        %reduce_or3A = arith.constant 1.000000e+00 : f32
        %reduce_or3A_205 = arith.constant 0.000000e+00 : f32
        %reduce_or3A_206 = vector.broadcast %reduce_or3A : f32 to vector<1x512xf32>
        %reduce_or3A_207 = vector.broadcast %reduce_or3A_205 : f32 to vector<1x512xf32>
        %reduce_or3A_208 = arith.select %ne3A, %reduce_or3A_206, %reduce_or3A_207 : vector<1x512xi1>, vector<1x512xf32>
        %reduce_or3A_209 = vector.shape_cast %reduce_or3A_208 : vector<1x512xf32> to vector<1x1x512xf32>
        %reduce_or3A_210 = arith.constant dense<0xFF800000> : vector<1xf32>
        %reduce_or3A_211 = vector.multi_reduction <maximumf>, %reduce_or3A_209, %reduce_or3A_210 [1, 2] : vector<1x1x512xf32> to vector<1xf32>
        %reduce_or3A_212 = vector.shape_cast %reduce_or3A_211 : vector<1xf32> to vector<1x1x1xf32>
        %reduce_or3A_213 = vector.extract %reduce_or3A_212[0, 0, 0] : f32 from vector<1x1x1xf32>
        %reduce_or3A_214 = arith.constant 0.000000e+00 : f32
        %reduce_or3A_215 = arith.cmpf ogt, %reduce_or3A_213, %reduce_or3A_214 : f32
        scf.yield %mul3A_204, %reduce_or3A_215 : vector<1x512xf32>, i1
      }
      %swap3A_183 = arith.constant 0 : index
      %swap3A_184 = arith.index_cast %mul3A_79 : i32 to index
      %swap3A_185 = vector.load %arg3[%swap3A_183, %swap3A_184] : memref<1x5120xf32, #tpu.memory_space<vmem>>, vector<1x512xf32>
      tpu.vector_store %arg3[%swap3A_183, %swap3A_184], %while3A_182#0 {strides = array<i32>} : memref<1x5120xf32, #tpu.memory_space<vmem>>, vector<1x512xf32>,
      %add3A_186 = arith.constant 1 : i32
      %add3A_187 = arith.addi %scan3A_77, %add3A_186 : i32
      %while3A_188 = arith.constant 10 : i32
      %while3A_189 = arith.subi %while3A_188, %add3A_187 : i32
      %while3A_190 = arith.addi %add3A_187, %while3A_189 : i32
      %while3A_191 = arith.constant 1 : i32
      %while3A_192 = arith.divsi %while3A_189, %while3A_191 : i32
      %while3A_193 = arith.muli %while3A_192, %while3A_191 : i32
      %while3A_194 = arith.addi %add3A_187, %while3A_193 : i32
      %while3A_195 = arith.constant 1 : i32
      scf.for %while3A_197 = %add3A_187 to %while3A_194 step %while3A_195  : i32 {
        %mul3A_198 = arith.constant 512 : i32
        %mul3A_199 = arith.muli %while3A_197, %mul3A_198 : i32
        %get3A_200 = arith.constant 0 : index
        %get3A_201 = arith.index_cast %mul3A_199 : i32 to index
        %get3A_202 = vector.load %arg4[%get3A_200, %get3A_201] : memref<8x5120xf32, #tpu.memory_space<vmem>>, vector<8x512xf32>
        %slice3A_203 = vector.extract_strided_slice %get3A_202 {offsets = [0, 0], sizes = [1, 512], strides = [1, 1]} : vector<8x512xf32> to vector<1x512xf32>
        %slice3A_204 = vector.extract_strided_slice %get3A_202 {offsets = [1, 0], sizes = [1, 512], strides = [1, 1]} : vector<8x512xf32> to vector<1x512xf32>
        %slice3A_205 = vector.extract_strided_slice %get3A_202 {offsets = [2, 0], sizes = [1, 512], strides = [1, 1]} : vector<8x512xf32> to vector<1x512xf32>
        %slice3A_206 = vector.extract_strided_slice %get3A_202 {offsets = [3, 0], sizes = [1, 512], strides = [1, 1]} : vector<8x512xf32> to vector<1x512xf32>
        %slice3A_207 = vector.extract_strided_slice %get3A_202 {offsets = [4, 0], sizes = [1, 512], strides = [1, 1]} : vector<8x512xf32> to vector<1x512xf32>
        %max3A_208 = vector.broadcast %sub3A_122 : vector<512x1xf32> to vector<512x512xf32>
        %max3A_209 = vector.broadcast %slice3A_203 : vector<1x512xf32> to vector<512x512xf32>
        %max3A_210 = arith.maximumf %max3A_208, %max3A_209 : vector<512x512xf32>
        %max3A_211 = vector.broadcast %sub3A_126 : vector<512x1xf32> to vector<512x512xf32>
        %max3A_212 = vector.broadcast %slice3A_204 : vector<1x512xf32> to vector<512x512xf32>
        %max3A_213 = arith.maximumf %max3A_211, %max3A_212 : vector<512x512xf32>
        %min3A_214 = vector.broadcast %add3A_130 : vector<512x1xf32> to vector<512x512xf32>
        %min3A_215 = vector.broadcast %slice3A_205 : vector<1x512xf32> to vector<512x512xf32>
        %min3A_216 = arith.minimumf %min3A_214, %min3A_215 : vector<512x512xf32>
        %min3A_217 = vector.broadcast %add3A_134 : vector<512x1xf32> to vector<512x512xf32>
        %min3A_218 = vector.broadcast %slice3A_206 : vector<1x512xf32> to vector<512x512xf32>
        %min3A_219 = arith.minimumf %min3A_217, %min3A_218 : vector<512x512xf32>
        %sub3A_220 = arith.subf %min3A_216, %max3A_210 : vector<512x512xf32>
        %max3A_221 = arith.constant 0.000000e+00 : f32
        %max3A_222 = vector.broadcast %max3A_221 : f32 to vector<512x512xf32>
        %max3A_223 = arith.maximumf %sub3A_220, %max3A_222 : vector<512x512xf32>
        %sub3A_224 = arith.subf %min3A_219, %max3A_213 : vector<512x512xf32>
        %max3A_225 = arith.constant 0.000000e+00 : f32
        %max3A_226 = vector.broadcast %max3A_225 : f32 to vector<512x512xf32>
        %max3A_227 = arith.maximumf %sub3A_224, %max3A_226 : vector<512x512xf32>
        %mul3A_228 = arith.mulf %max3A_223, %max3A_227 : vector<512x512xf32>
        %add3A_229 = vector.broadcast %mul3A_137 : vector<512x1xf32> to vector<512x512xf32>
        %add3A_230 = vector.broadcast %slice3A_207 : vector<1x512xf32> to vector<512x512xf32>
        %add3A_231 = arith.addf %add3A_229, %add3A_230 : vector<512x512xf32>
        %sub3A_232 = arith.subf %add3A_231, %mul3A_228 : vector<512x512xf32>
        %add3A_233 = arith.constant 1.000000e-07 : f32
        %add3A_234 = vector.broadcast %add3A_233 : f32 to vector<512x512xf32>
        %add3A_235 = arith.addf %sub3A_232, %add3A_234 : vector<512x512xf32>
        %div3A_236 = arith.divf %mul3A_228, %add3A_235 : vector<512x512xf32>
        %gt3A_237 = arith.constant 6.500000e-01 : f32
        %gt3A_238 = vector.broadcast %gt3A_237 : f32 to vector<512x512xf32>
        %gt3A_239 = arith.cmpf ogt, %div3A_236, %gt3A_238 : vector<512x512xf32>
        %convert_element_type3A_240 = arith.extui %gt3A_239 : vector<512x512xi1> to vector<512x512xi32>
        %convert_element_type3A_241 = arith.sitofp %convert_element_type3A_240 : vector<512x512xi32> to vector<512x512xf32>
        %dot_general3A = arith.constant dense<0.000000e+00> : vector<1x512xf32>
        %dot_general3A_242 = tpu.matmul %while3A_182#0, %convert_element_type3A_241, %dot_general3A {dimension_numbers = #tpu.dot_dimension_numbers<[1], [0], [0], [1], [0, 0, 1, 1], [], []>, transpose_lhs_hint = false} : vector<1x512xf32>, vector<512x512xf32>, vector<1x512xf32> -> vector<1x512xf32>
        %get3A_243 = arith.constant 0 : index
        %get3A_244 = arith.index_cast %mul3A_199 : i32 to index
        %get3A_245 = vector.load %arg3[%get3A_243, %get3A_244] : memref<1x5120xf32, #tpu.memory_space<vmem>>, vector<1x512xf32>
        %le3A = arith.constant 0.000000e+00 : f32
        %le3A_246 = vector.broadcast %le3A : f32 to vector<1x512xf32>
        %le3A_247 = arith.cmpf ole, %dot_general3A_242, %le3A_246 : vector<1x512xf32>
        %convert_element_type3A_248 = arith.extui %le3A_247 : vector<1x512xi1> to vector<1x512xi32>
        %convert_element_type3A_249 = arith.sitofp %convert_element_type3A_248 : vector<1x512xi32> to vector<1x512xf32>
        %mul3A_250 = arith.mulf %get3A_245, %convert_element_type3A_249 : vector<1x512xf32>
        %swap3A_251 = arith.constant 0 : index
        %swap3A_252 = arith.index_cast %mul3A_199 : i32 to index
        %swap3A_253 = vector.load %arg3[%swap3A_251, %swap3A_252] : memref<1x5120xf32, #tpu.memory_space<vmem>>, vector<1x512xf32>
        tpu.vector_store %arg3[%swap3A_251, %swap3A_252], %mul3A_250 {strides = array<i32>} : memref<1x5120xf32, #tpu.memory_space<vmem>>, vector<1x512xf32>,
      }
      %while3A_196 = arith.constant 1 : i32
      scf.for %while3A_197 = %while3A_194 to %while3A_190 step %while3A_196  : i32 {
        %mul3A_198 = arith.constant 512 : i32
        %mul3A_199 = arith.muli %while3A_197, %mul3A_198 : i32
        %get3A_200 = arith.constant 0 : index
        %get3A_201 = arith.index_cast %mul3A_199 : i32 to index
        %get3A_202 = vector.load %arg4[%get3A_200, %get3A_201] : memref<8x5120xf32, #tpu.memory_space<vmem>>, vector<8x512xf32>
        %slice3A_203 = vector.extract_strided_slice %get3A_202 {offsets = [0, 0], sizes = [1, 512], strides = [1, 1]} : vector<8x512xf32> to vector<1x512xf32>
        %slice3A_204 = vector.extract_strided_slice %get3A_202 {offsets = [1, 0], sizes = [1, 512], strides = [1, 1]} : vector<8x512xf32> to vector<1x512xf32>
        %slice3A_205 = vector.extract_strided_slice %get3A_202 {offsets = [2, 0], sizes = [1, 512], strides = [1, 1]} : vector<8x512xf32> to vector<1x512xf32>
        %slice3A_206 = vector.extract_strided_slice %get3A_202 {offsets = [3, 0], sizes = [1, 512], strides = [1, 1]} : vector<8x512xf32> to vector<1x512xf32>
        %slice3A_207 = vector.extract_strided_slice %get3A_202 {offsets = [4, 0], sizes = [1, 512], strides = [1, 1]} : vector<8x512xf32> to vector<1x512xf32>
        %max3A_208 = vector.broadcast %sub3A_122 : vector<512x1xf32> to vector<512x512xf32>
        %max3A_209 = vector.broadcast %slice3A_203 : vector<1x512xf32> to vector<512x512xf32>
        %max3A_210 = arith.maximumf %max3A_208, %max3A_209 : vector<512x512xf32>
        %max3A_211 = vector.broadcast %sub3A_126 : vector<512x1xf32> to vector<512x512xf32>
        %max3A_212 = vector.broadcast %slice3A_204 : vector<1x512xf32> to vector<512x512xf32>
        %max3A_213 = arith.maximumf %max3A_211, %max3A_212 : vector<512x512xf32>
        %min3A_214 = vector.broadcast %add3A_130 : vector<512x1xf32> to vector<512x512xf32>
        %min3A_215 = vector.broadcast %slice3A_205 : vector<1x512xf32> to vector<512x512xf32>
        %min3A_216 = arith.minimumf %min3A_214, %min3A_215 : vector<512x512xf32>
        %min3A_217 = vector.broadcast %add3A_134 : vector<512x1xf32> to vector<512x512xf32>
        %min3A_218 = vector.broadcast %slice3A_206 : vector<1x512xf32> to vector<512x512xf32>
        %min3A_219 = arith.minimumf %min3A_217, %min3A_218 : vector<512x512xf32>
        %sub3A_220 = arith.subf %min3A_216, %max3A_210 : vector<512x512xf32>
        %max3A_221 = arith.constant 0.000000e+00 : f32
        %max3A_222 = vector.broadcast %max3A_221 : f32 to vector<512x512xf32>
        %max3A_223 = arith.maximumf %sub3A_220, %max3A_222 : vector<512x512xf32>
        %sub3A_224 = arith.subf %min3A_219, %max3A_213 : vector<512x512xf32>
        %max3A_225 = arith.constant 0.000000e+00 : f32
        %max3A_226 = vector.broadcast %max3A_225 : f32 to vector<512x512xf32>
        %max3A_227 = arith.maximumf %sub3A_224, %max3A_226 : vector<512x512xf32>
        %mul3A_228 = arith.mulf %max3A_223, %max3A_227 : vector<512x512xf32>
        %add3A_229 = vector.broadcast %mul3A_137 : vector<512x1xf32> to vector<512x512xf32>
        %add3A_230 = vector.broadcast %slice3A_207 : vector<1x512xf32> to vector<512x512xf32>
        %add3A_231 = arith.addf %add3A_229, %add3A_230 : vector<512x512xf32>
        %sub3A_232 = arith.subf %add3A_231, %mul3A_228 : vector<512x512xf32>
        %add3A_233 = arith.constant 1.000000e-07 : f32
        %add3A_234 = vector.broadcast %add3A_233 : f32 to vector<512x512xf32>
        %add3A_235 = arith.addf %sub3A_232, %add3A_234 : vector<512x512xf32>
        %div3A_236 = arith.divf %mul3A_228, %add3A_235 : vector<512x512xf32>
        %gt3A_237 = arith.constant 6.500000e-01 : f32
        %gt3A_238 = vector.broadcast %gt3A_237 : f32 to vector<512x512xf32>
        %gt3A_239 = arith.cmpf ogt, %div3A_236, %gt3A_238 : vector<512x512xf32>
        %convert_element_type3A_240 = arith.extui %gt3A_239 : vector<512x512xi1> to vector<512x512xi32>
        %convert_element_type3A_241 = arith.sitofp %convert_element_type3A_240 : vector<512x512xi32> to vector<512x512xf32>
        %dot_general3A = arith.constant dense<0.000000e+00> : vector<1x512xf32>
        %dot_general3A_242 = tpu.matmul %while3A_182#0, %convert_element_type3A_241, %dot_general3A {dimension_numbers = #tpu.dot_dimension_numbers<[1], [0], [0], [1], [0, 0, 1, 1], [], []>, transpose_lhs_hint = false} : vector<1x512xf32>, vector<512x512xf32>, vector<1x512xf32> -> vector<1x512xf32>
        %get3A_243 = arith.constant 0 : index
        %get3A_244 = arith.index_cast %mul3A_199 : i32 to index
        %get3A_245 = vector.load %arg3[%get3A_243, %get3A_244] : memref<1x5120xf32, #tpu.memory_space<vmem>>, vector<1x512xf32>
        %le3A = arith.constant 0.000000e+00 : f32
        %le3A_246 = vector.broadcast %le3A : f32 to vector<1x512xf32>
        %le3A_247 = arith.cmpf ole, %dot_general3A_242, %le3A_246 : vector<1x512xf32>
        %convert_element_type3A_248 = arith.extui %le3A_247 : vector<1x512xi1> to vector<1x512xi32>
        %convert_element_type3A_249 = arith.sitofp %convert_element_type3A_248 : vector<1x512xi32> to vector<1x512xf32>
        %mul3A_250 = arith.mulf %get3A_245, %convert_element_type3A_249 : vector<1x512xf32>
        %swap3A_251 = arith.constant 0 : index
        %swap3A_252 = arith.index_cast %mul3A_199 : i32 to index
        %swap3A_253 = vector.load %arg3[%swap3A_251, %swap3A_252] : memref<1x5120xf32, #tpu.memory_space<vmem>>, vector<1x512xf32>
        tpu.vector_store %arg3[%swap3A_251, %swap3A_252], %mul3A_250 {strides = array<i32>} : memref<1x5120xf32, #tpu.memory_space<vmem>>, vector<1x512xf32>,
      }
    }
    %scan3A_62 = arith.constant 10 : i32
    %get3A_63 = arith.constant 0 : index
    %get3A_64 = arith.constant 0 : index
    %get3A_65 = vector.load %arg3[%get3A_63, %get3A_64] : memref<1x5120xf32, #tpu.memory_space<vmem>>, vector<1x5120xf32>
    %broadcast_in_dim3A_66 = arith.constant 0.000000e+00 : f32
    %broadcast_in_dim3A_67 = vector.broadcast %broadcast_in_dim3A_66 : f32 to vector<3x5120xf32>
    %mul3A_68 = arith.mulf %sub3A, %get3A_65 : vector<1x5120xf32>
    %mul3A_69 = arith.mulf %sub3A_38, %get3A_65 : vector<1x5120xf32>
    %mul3A_70 = arith.mulf %add3A_42, %get3A_65 : vector<1x5120xf32>
    %mul3A_71 = arith.mulf %add3A_46, %get3A_65 : vector<1x5120xf32>
    %mul3A_72 = arith.mulf %slice3A, %get3A_65 : vector<1x5120xf32>
    %concatenate3A_73 = tpu.concatenate %mul3A_68, %mul3A_69, %mul3A_70, %mul3A_71, %mul3A_72, %broadcast_in_dim3A_67 in 0 : vector<1x5120xf32>, vector<1x5120xf32>, vector<1x5120xf32>, vector<1x5120xf32>, vector<1x5120xf32>, vector<3x5120xf32> -> vector<8x5120xf32>
    %swap3A_74 = arith.constant 0 : index
    %swap3A_75 = arith.constant 0 : index
    %swap3A_76 = vector.load %arg2[%swap3A_74, %swap3A_75] : memref<8x5120xf32, #tpu.memory_space<vmem>>, vector<8x5120xf32>
    tpu.vector_store %arg2[%swap3A_74, %swap3A_75], %concatenate3A_73 {strides = array<i32>} : memref<8x5120xf32, #tpu.memory_space<vmem>>, vector<8x5120xf32>,
    return
  }
}

</mosaic_0001>

<sc_bundles>
// kernel: gather_offload_async_start
scs
__scs_entry_jumppad:
0x0: {  	(pc) =	sbr.rel $0x88, $3  }
0x1: {  	(tag) =	ssettag $0x0;
	lr =	simm.s32 $0x1  }
0x2: {  	[smem:$0x3F9F] =	sst lr;
	_ =	strace $0xD0000000  }
0x3: {  	_ = 	snop  }
0x4: {  	_ = 	snop  }
0x5: {  	_ = 	snop  }
0x6: {  	_ = 	snop  }
0x7: {  	_ = 	snop  }
__scs_overlays_trampoline_lowered:
0x8: {  	[smem:$0x3FAE] =	sst s0  }
0x9: {  	[smem:$0x3FAF] =	sst s1  }
0xa: {  	[smem:$0x3FB0] =	sst s2  }
0xb: {  	[smem:$0x3FB1] =	sst s3  }
0xc: {  	[smem:$0x3FB2] =	sst s4  }
0xd: {  	[smem:$0x3FB3] =	sst s5  }
0xe: {  	[smem:$0x3FB4] =	sst s6  }
0xf: {  	[smem:$0x3FB5] =	sst s7  }
0x10: {  	[smem:$0x3FB6] =	sst s8  }
0x11: {  	[smem:$0x3FB7] =	sst s9;
	s0 =	simm.s32 @!p0 $0x0  }
0x12: {  	s1 =	sld [smem:$0x3F9D];
	s0 =	simm.s32 @p0 $0x1  }
0x13: {  	[smem:$0x3FB8] =	sst s0;
	s0 =	simm.s32 @!p1 $0x0  }
0x14: {  	s2 =	sld [smem:$0x3F9C];
	s0 =	simm.s32 @p1 $0x1  }
0x15: {  	[smem:$0x3FB9] =	sst s0;
	s0 =	simm.s32 @!p2 $0x0  }
0x16: {  	s3 =	sld [smem:$0x3FDB];
	s0 =	simm.s32 @p2 $0x1  }
0x17: {  	s4 =	simm.s32 $0x1BF5;
	[smem:$0x3FBB] =	sst s0  }
0x18: {  	s0 =	sld [smem:$0x3F9E];
	_ =	swait.ge [sflag:s4], $0x0  }
0x19: {  	s7 =	sld [smem:$0x3F9F]  }
0x1a: {  	s8 =	sadd.s32 $0xFFFFE003, lr  }
0x1b: {  	s9 =	sadd.s32 $0xFFFFFEF7, lr;
	s5 =	simm.s32 $0xFFFFFFFF;
	p2 =	slt.u32 s8, $0xFFFFF086  }
0x1c: {  	p1 =	slt.u32 s9, $0xF7A;
	s5 =	simm.s32 @!p2 $0x0  }
0x1d: {  	s5 =	simm.s32 @p1 $0x1;
	p0 =	seq.s32 s7, s2  }
0x1e: {  	s7 =	smul.u32 @!p0 $0xF7A, s2;
	p2 =	seq.s32 @!p0 s5, $0x0  }
0x1f: {  	s9 =	smul.u32 $0xF7A, s1;
	s8 =	simm.s32 @!p0 $0x1BF5;
	p2 =	por !p2, p0  }
0x20: {  	[sflag:s8] =	ssyncset.s32 @!p0 $0xFFFFF086;
	s6 =	sadd.s32 @!p0 s3, s7;
	s7 =	simm.s32 @!p0 $0x108  }
0x21: {  	s3 =	sadd.s32 s3, s9;
	s6 =	sadd.s32 @!p0 $0x88, s6;
	s7 =	simm.s32 @p2 $0x1082  }
0x22: {  	[simem:s7], [sflag:s8] =	dma.local @!p0 [hbm:s6], $0xF7A  }
0x23: {  	s9 =	sor.u32 $0xD0000000, s2;
	s6 =	simm.s32 $0x108;
	_ =	swait.ge @!p0 [sflag:s8], $0x0  }
0x24: {  	s3 =	sadd.s32 $0x88, s3;
	s6 =	simm.s32 @!p1 $0x1082;
	[sflag:s4] =	ssyncset.s32 $0xFFFFF086  }
0x25: {  	[simem:s6], [sflag:s4] =	dma.local [hbm:s3], $0xF7A  }
0x26: {  	[smem:$0x3F9F] =	sst s1;
	(tag) =	ssettag s2;
	_ =	strace s9  }
0x27: {  	s1 =	sld [smem:$0x3FAF]  }
0x28: {  	s2 =	sld [smem:$0x3FB0]  }
0x29: {  	s4 =	sld [smem:$0x3FB2]  }
0x2a: {  	p0 =	seq.s32 s5, $0x0;
	s5 =	sld [smem:$0x3FB3]  }
0x2b: {  	s6 =	sld [smem:$0x3FB4]  }
0x2c: {  	s7 =	sld [smem:$0x3FB5]  }
0x2d: {  	s3 =	simm.s32 $0x108;
	s8 =	sld [smem:$0x3FB6]  }
0x2e: {  	s3 =	simm.s32 @!p0 $0x1082;
	s9 =	sld [smem:$0x3FB7]  }
0x2f: {  	lr =	sadd.s32 s0, s3;
	s0 =	sld [smem:$0x3FAE]  }
0x30: {  	s3 =	sld [smem:$0x3FB1]  }
0x31: {  	[smem:$0x3FBA] =	sst s10  }
0x32: {  	s10 =	sld [smem:$0x3FB8];
	_ =	sdelay $0x3  }
0x33: {  	p0 =	seq.s32 s10, $0x1;
	s10 =	sld [smem:$0x3FBA];
	_ =	sdelay $0x3  }
0x34: {  	[smem:$0x3FBA] =	sst s10  }
0x35: {  	s10 =	sld [smem:$0x3FB9];
	_ =	sdelay $0x3  }
0x36: {  	p1 =	seq.s32 s10, $0x1;
	s10 =	sld [smem:$0x3FBA];
	_ =	sdelay $0x3  }
0x37: {  	[smem:$0x3FBA] =	sst s10  }
0x38: {  	s10 =	sld [smem:$0x3FBB]  }
0x39: {  	_ = 	snop;
	(pc) =	sbr.ind lr, $3  }
0x3a: {  	_ = 	snop  }
0x3b: {  	_ = 	snop  }
0x3c: {  	p2 =	seq.s32 s10, $0x1;
	s10 =	sld [smem:$0x3FBA]  }
0x3d: {  	_ =	shalt  }
0x3e: {  	_ =	shalt  }
0x3f: {  	_ =	shalt  }
0x40: {  	_ =	shalt  }
0x41: {  	_ =	shalt  }
0x42: {  	_ =	shalt  }
0x43: {  	_ =	shalt  }
0x44: {  	_ =	shalt  }
0x45: {  	_ =	shalt  }
0x46: {  	_ =	shalt  }
0x47: {  	_ =	shalt  }
0x48: {  	_ =	shalt  }
0x49: {  	_ =	shalt  }
0x4a: {  	_ =	shalt  }
0x4b: {  	_ =	shalt  }
0x4c: {  	_ =	shalt  }
0x4d: {  	_ =	shalt  }
0x4e: {  	_ =	shalt  }
0x4f: {  	_ =	shalt  }
0x50: {  	_ =	shalt  }
0x51: {  	_ =	shalt  }
0x52: {  	_ =	shalt  }
0x53: {  	_ =	shalt  }
0x54: {  	_ =	shalt  }
0x55: {  	_ =	shalt  }
0x56: {  	_ =	shalt  }
0x57: {  	_ =	shalt  }
0x58: {  	_ =	shalt  }
0x59: {  	_ =	shalt  }
0x5a: {  	_ =	shalt  }
0x5b: {  	_ =	shalt  }
0x5c: {  	_ =	shalt  }
0x5d: {  	_ =	shalt  }
0x5e: {  	_ =	shalt  }
0x5f: {  	_ =	shalt  }
0x60: {  	_ =	shalt  }
0x61: {  	_ =	shalt  }
0x62: {  	_ =	shalt  }
0x63: {  	_ =	shalt  }
0x64: {  	_ =	shalt  }
0x65: {  	_ =	shalt  }
0x66: {  	_ =	shalt  }
0x67: {  	_ =	shalt  }
0x68: {  	_ =	shalt  }
0x69: {  	_ =	shalt  }
0x6a: {  	_ =	shalt  }
0x6b: {  	_ =	shalt  }
0x6c: {  	_ =	shalt  }
0x6d: {  	_ =	shalt  }
0x6e: {  	_ =	shalt  }
0x6f: {  	_ =	shalt  }
0x70: {  	_ =	shalt  }
0x71: {  	_ =	shalt  }
0x72: {  	_ =	shalt  }
0x73: {  	_ =	shalt  }
0x74: {  	_ =	shalt  }
0x75: {  	_ =	shalt  }
0x76: {  	_ =	shalt  }
0x77: {  	_ =	shalt  }
0x78: {  	_ =	shalt  }
0x79: {  	_ =	shalt  }
0x7a: {  	_ =	shalt  }
0x7b: {  	_ =	shalt  }
0x7c: {  	_ =	shalt  }
0x7d: {  	_ =	shalt  }
0x7e: {  	_ =	shalt  }
0x7f: {  	_ =	shalt  }
0x80: {  	_ =	shalt  }
0x81: {  	_ =	shalt  }
0x82: {  	_ =	shalt  }
0x83: {  	_ =	shalt  }
0x84: {  	_ =	shalt  }
0x85: {  	_ =	shalt  }
0x86: {  	_ =	shalt  }
0x87: {  	_ =	shalt  }
.Lfunc_end0:
.L_simem_size_0:
called_computation_lowered:
.L_overlay_start_0:
0x88: {  	s0 =	sld [smem:$0x3FD9]  }
0x89: {  	s1 =	sld [smem:$0x3FFE];
	_ =	sdelay $0x3  }
0x8a: {  	s0 =	sadd.s32 s1, s0  }
0x8b: {  	[smem:$0x3FC6] =	sst s0  }
0x8c: {  	_ = 	snop  }
0x8d: {  	s0 =	sld [smem:$0x3FD0];
	(tm) =	ssettm $0x1  }
0x8e: {  	s16 =	sld [smem:$0x3FFB];
	_ =	sdelay $0x3  }
0x8f: {  	_ =	strace s16  }
0x90: {  	s1 =	sld [smem:$0x3FFC];
	_ =	sdelay $0x3  }
0x91: {  	_ =	strace s1  }
0x92: {  	s1 =	sld [smem:$0x3FFD];
	_ =	sdelay $0x3  }
0x93: {  	_ =	strace s1  }
0x94: {  	_ =	strace $0x8FFFFFFF  }
0x95: {  	s17 =	sld [smem:$0x3FDB];
	_ =	sdelay $0x1  }
0x96: {  	s2 =	simm.s32 $_scs_section_size  }
0x97: {  	s3 =	simm.s32 $_size__tile_overlayer_lowered;
	s4 =	simm.s32 $_tile_overlayer_lowered  }
0x98: {  	s20 =	simm.s32 $0x1BFF;
	s19 =	sshll.u32 s4, $0x1;
	s1 =	sadd.s32 s2, s17  }
0x99: {  	s5 =	simm.s32 $0x0;
	s18 =	sshll.u32 s3, $0x1;
	s3 =	sadd.s32 s19, s1  }
0x9a: {  	[timem:s5], [sflag:s20] =	dma.local [hbm:s3], s18  }
0x9b: {  	_ =	swait.ge [sflag:s20], s18  }
0x9c: {  	s2 =	ssub.s32 $0x0, s18;
	[sflag:s20] =	ssyncset.done $0x0  }
0x9d: {  	[sflag:s20] =	ssyncadd.s32 s2;
	_ =	sdelay $0x1  }
0x9e: {  	s21 =	simm.s32 $0x1B8B  }
0x9f: {  	_ =	swait.ge [sflag:s21], $0x1  }
0xa0: {  	[sflag:s21] =	ssyncset.done $0x0  }
0xa1: {  	s23 =	simm.s32 $0x1B8E;
	s22 =	sld [smem:$0x3FFE];
	[sflag:s21] =	ssyncadd.s32 $0xFFFFFFFF  }
0xa2: {  	s24 =	simm.s32 $execute0_lowered;
	[smem:$0x3FD2] =	sst s23  }
0xa3: {  	s3 =	sshll.u32 s24, $0x1;
	_ =	strace $0x80000046;
	[dreg:$0x1] =	wrdreg $0xFFFFFFFF  }
0xa4: {  	s25 =	simm.s32 $_size_execute0_lowered;
	s1 =	sadd.s32 s1, s3;
	[dreg:$0x0] =	wrdreg $0x0  }
0xa5: {  	s3 =	sshll.u32 s25, $0x1;
	[dreg:$0x2] =	wrdreg s1  }
0xa6: {  	[dreg:$0x3] =	wrdreg s3  }
0xa7: {  	[dreg:$0x4] =	wrdreg $0xC0  }
0xa8: {  	_ =	task [dreg:s5], $0x5FFFF  }
0xa9: {  	[dreg:$0x1] =	wrdreg $0xFFFFFFFF  }
0xaa: {  	[dreg:$0x0] =	wrdreg $0x60  }
0xab: {  	[dreg:$0x2] =	wrdreg s22  }
0xac: {  	[dreg:$0x3] =	wrdreg s0  }
0xad: {  	[dreg:$0x4] =	wrdreg $0x9  }
0xae: {  	_ =	task.clear_ibuf [dreg:s5], $0x5FFFF;
	_ =	strace $0x90000046  }
0xaf: {  	s26 =	simm.s32 $0x9;
	_ =	strace $0x80000048  }
0xb0: {  	_ =	swait.ge [sflag:s26], $0x1  }
0xb1: {  	[sflag:s26] =	ssyncadd.s32 $0xFFFFFFFF  }
0xb2: {  	_ =	strace $0x90000048  }
0xb3: {  	_ =	sfence  }
0xb4: {  	s28 =	sld [smem:$0x0];
	_ =	sdelay $0x1  }
0xb5: {  	s29 =	srdreg.scid  }
0xb6: {  	s30 =	sshll.u32 s29, $0xD;
	s31 =	sshrl.u32 s29, $0x2  }
0xb7: {  	s2 =	sand.u32 $0x4000, s30;
	s1 =	sand.u32 $0x1, s29;
	s0 =	sadd.s32 s31, s28  }
0xb8: {  	s1 =	sor.u32 s2, s1;
	s0 =	sshll.u32 s0, $0x11  }
0xb9: {  	s0 =	sor.u32 s0, s1  }
0xba: {  	s0 =	sadd.s32 $0x8F2B, s0  }
0xbb: {  	[sflag:s0] =	ssyncadd.remote.s32 $0x1  }
0xbc: {  	_ =	sfence.sel $0xFFFF  }
0xbd: {  	[dreg:$0x0] =	wrdreg $0xFFFFFFFF;
	(pc) =	sbr.abs _section_cstart, $3  }
0xbe: {  	[dreg:$0x1] =	wrdreg $0xFFFFFFFF  }
0xbf: {  	_ =	task.clear_ibuf [dreg:s5], $0x2FFFF;
	_ =	strace $0x9FFFFFFF  }
0xc0: {  	(tm) =	ssettm $0x7FFFFFFF  }
0xc1: {  	_ =	shalt  }
tec
execute0_lowered:
.L_overlay_start_1:
0x0: {  	(tag) =	ssettag $0x1  }
0x1: {  	s0 =	stileid.u32  }
0x2: {  	s1 =	smin.u32 s0, $0x9  }
0x3: {  	s1 =	sadd.s32 s0, s1  }
0x4: {  	s2 =	simm.s32 $0x190;
	p0 =	slt.u32 s0, $0x9;
	s1 =	smul.u32 $0xC8, s1  }
0x5: {  	s2 =	simm.s32 @!p0 $0xC8  }
0x6: {  	s2 =	sadd.s32 s2, s1  }
0x7: {  	s3 =	smin.u32 s2, $0x1388  }
0x8: {  	s7 =	ssub.s32 s3, s1  }
0x9: {  	p0 =	sgt.s32 s7, $0x0  }
0xa: {  	s7 =	simm.s32 @!p0 $0x0  }
0xb: {  	s31 =	sand.u32 $0xFFF8, s7  }
0xc: {  	s2 =	sshrl.u32 s31, $0x3  }
0xd: {  	s4 =	rddreg [dreg:$0x0];
	s2 =	smul.u32 $0x147B, s2  }
0xe: {  	s5 =	rddreg [dreg:$0x1]  }
0xf: {  	s6 =	simm.s32 $0x1;
	s10 =	simm.s32 $0x3;
	s8 =	sshrl.u32 s2, $0x11  }
0x10: {  	s13 =	simm.s32 $0x0;
	s12 =	simm.s32 $0x0;
	s9 =	smul.u32 $0xC8, s8  }
.Ltmp0:
0x11: {  	s11 =	smov.u32 s1;
	s2 =	rddreg [dreg:$0x2];
	(pc) =	sbr.rel .LBB2_1-.Ltmp0, $4  }
0x12: {  	_ =	strace $0x80000047;
	p0 =	sne.s32 s7, s9;
	s9 =	simm.s32 $0x1  }
0x13: {  	[sflag:s6] =	ssyncpa.u1 $0x0;
	s7 =	simm.s32 $0x2;
	s9 =	simm.s32 @!p0 $0x0  }
0x14: {  	[sflag:s7] =	ssyncpa.u1 $0x0;
	p0 =	por $0x0, $0x0;
	s8 =	sadd.s32 s8, s9  }
0x15: {  	vm0 =	vmmov $0xff;
	vm1 =	vcmask $0x3F20;
	s9 =	sadd.s32 $0x13A00, s4;
	[sflag:s10] =	ssyncpa.u1 $0x0;
	s10 =	sadd.s32 $0x1, s8  }
.LBB2_6:
0x16: {  	[hbm:s17] =	stream.linear.scatter [tilespmem:s14], [sflag:$0x3], $0x400, $0x38;
	[tilespmem:$0xC990] =	vst v63  }
.LBB2_7:
0x17: {  	s13 =	sadd.s32 $0xC8, s11  }
0x18: {  	s15 =	smov.u32 s1;
	p2 =	slt.s32 s13, s3  }
0x19: {  	s15 =	smov.u32 @p2 s13;
	p2 =	sne.s32 s12, s10  }
.Ltmp1:
0x1a: {  	p1 =	slt.u32 s12, $0x2;
	(pc) =	sbr.rel @!p2 .LBB2_8-.Ltmp1, $4  }
0x1b: {  	s14 =	simm.s32 @!p1 $0x3  }
0x1c: {  	s16 =	sadd.s32 $0x1, s12;
	_ =	swait.ge @!p1 [sflag:s14], $0x6400  }
0x1d: {  	p0 =	por !p0, !p0;
	s13 =	smov.u32 s11;
	[sflag:s14] =	ssyncset.done @!p1 $0x0  }
0x1e: {  	s12 =	smov.u32 s16;
	s11 =	smov.u32 s15;
	[sflag:s14] =	ssyncadd.s32 @!p1 $0xFFFF9C00  }
.LBB2_1:
0x1f: {  	p1 =	sge.u32 s12, s8  }
0x20: {  	s14 =	sxor.u32 @!p1 $0xFFFFFFFF, s12  }
0x21: {  	s14 =	sand.u32 @!p1 $0x1, s14  }
0x22: {  	s14 =	smul.u32 @!p1 $0x320, s14  }
0x23: {  	s31 =	sadd.s32 $0xFFFFFFFF, s12;
	s15 =	sshrl.u32 @!p1 s11, $0x3  }
0x24: {  	s16 =	sand.u32 @!p1 $0x7, s11;
	s15 =	sadd.s32 @!p1 s5, s15;
	s14 =	sshrl.u32 @!p1 s14, $0x2  }
0x25: {  	[tilespmem:s14], [sflag:$0x2] =	stream.linear.gather @!p1 [hbm4b:s15+s16], $0xC8, $0x38;
	[tilespmem:$0xC990] =	vst v63  }
0x26: {  	p1 =	sge.u32 s31, s8  }
.Ltmp2:
0x27: {  	_ = 	snop;
	(pc) =	sbr.rel @p1 .LBB2_7-.Ltmp2, $1  }
0x28: {  	_ =	sdelay $0x3  }
0x29: {  	s14 =	simm.s32 $0x1  }
0x2a: {  	s14 =	simm.s32 @!p0 $0x0  }
0x2b: {  	s15 =	smul.u32 $0x320, s14  }
0x2c: {  	_ =	swait.ge [sflag:s7], $0xC8  }
0x2d: {  	[sflag:s7] =	ssyncset.done $0x0;
	s16 =	sshrl.u32 s15, $0x2  }
0x2e: {  	[sflag:s7] =	ssyncadd.s32 $0xFFFFFF38;
	s15 =	sadd.s32 $0x0, s16  }
0x2f: {  	v0 =	vld.msk [tilespmem:s15+$0x0 ss:$0x1], $0xffff;
	_ =	sdelay $0x4  }
0x30: {  	vm2 =	vgt.s32 v0, $0x0  }
0x31: {  	v0 =	vnsel vm2, $0x0, v0  }
0x32: {  	v0 =	vmin.u32 v0, $0x1387  }
0x33: {  	v0 =	vshll.u32 v0, $0x4  }
0x34: {  	s14 =	smul.u32 $0x19000, s14  }
0x35: {  	s31 =	sand.u32 $0x1, s12  }
0x36: {  	s17 =	smul.u32 $0x320, s31;
	s14 =	sshrl.u32 s14, $0x2  }
0x37: {  	s19 =	smul.u32 $0x19000, s31;
	s14 =	sor.u32 $0x190, s14  }
0x38: {  	[tilespmem:s14], [sflag:$0x1] =	stream.indirect_vreg.gather [hbm:s4], $0x80, v0, vm0, $0x38;
	[tilespmem:$0xC990] =	vst v63  }
0x39: {  	s18 =	sshrl.u32 s17, $0x2;
	s20 =	sadd.s32 $0x10, s16;
	s15 =	sadd.s32 $0x400, s14  }
0x3a: {  	[tilespmem:s15], [sflag:$0x1] =	stream.indirect_vreg.gather [hbm:s4], $0x80, v0, vm1, $0x38;
	[tilespmem:$0xC990] =	vst v63  }
0x3b: {  	s17 =	sshrl.u32 s19, $0x2;
	s19 =	smov.u32 s14;
	v0 =	vld.msk [tilespmem:s20+$0x0 ss:$0x1], $0xffff;
	s20 =	simm.s32 $0x80  }
.LBB2_3:
0x3c: {  	p1 =	sne.s32 s20, $0x2C0;
	_ =	sdelay $0x4  }
0x3d: {  	vm2 =	vgt.s32 v0, $0x0  }
0x3e: {  	v0 =	vnsel vm2, $0x0, v0  }
0x3f: {  	v0 =	vmin.u32 v0, $0x1387  }
0x40: {  	v0 =	vshll.u32 v0, $0x4;
	_ =	sdelay $0x3  }
.Ltmp3:
0x41: {  	s21 =	sshra.s32 s20, $0x2;
	s19 =	sadd.s32 $0x800, s19;
	(pc) =	sbr.rel @p1 .LBB2_3-.Ltmp3, $4  }
0x42: {  	[tilespmem:s19], [sflag:$0x1] =	stream.indirect_vreg.gather [hbm:s4], $0x80, v0, vm0, $0x38;
	[tilespmem:$0xC990] =	vst v63  }
0x43: {  	s21 =	sadd.s32 s21, s16;
	s22 =	sadd.s32 $0x400, s19  }
0x44: {  	[tilespmem:s22], [sflag:$0x1] =	stream.indirect_vreg.gather [hbm:s4], $0x80, v0, vm1, $0x38;
	[tilespmem:$0xC990] =	vst v63  }
0x45: {  	s20 =	sadd.s32 $0x40, s20;
	v0 =	vld.msk [tilespmem:s21+$0x0 ss:$0x1], $0xffff  }
0x46: {  	_ =	sdelay $0x3  }
0x47: {  	vm2 =	vgt.s32 v0, $0x0  }
0x48: {  	v0 =	vnsel vm2, $0x0, v0  }
0x49: {  	v0 =	vmin.u32 v0, $0x1387  }
0x4a: {  	v0 =	vshll.u32 v0, $0x4;
	_ =	sdelay $0x3  }
0x4b: {  	s16 =	sadd.s32 $0x800, s19  }
0x4c: {  	[tilespmem:s16], [sflag:$0x1] =	stream.indirect_vreg.gather [hbm:s4], $0x80, v0, vm0, $0x38;
	[tilespmem:$0xC990] =	vst v63  }
0x4d: {  	s16 =	sadd.s32 $0x400, s16  }
0x4e: {  	[tilespmem:s16], [sflag:$0x1] =	stream.indirect_vreg.gather [hbm:s4], $0x80, v0, vm1, $0x38;
	[tilespmem:$0xC990] =	vst v63  }
0x4f: {  	v0 =	vld.msk [tilespmem:s18+$0xC0 ss:$0x1], $0xff;
	_ =	sdelay $0x4  }
0x50: {  	vm2 =	vgt.s32 v0, $0x0  }
0x51: {  	v0 =	vnsel vm2, $0x0, v0  }
0x52: {  	v0 =	vmin.u32 v0, $0x1387  }
0x53: {  	v0 =	vshll.u32 v0, $0x4;
	_ =	sdelay $0x3  }
0x54: {  	s31 =	sadd.s32 $0x6190, s17  }
0x55: {  	[tilespmem:s31], [sflag:$0x1] =	stream.indirect_vreg.gather [hbm:s4], $0x80, v0, vm0, $0x38;
	[tilespmem:$0xC990] =	vst v63  }
0x56: {  	s13 =	sshll.u32 s13, $0x4;
	_ =	swait.ge [sflag:s6], $0x6400  }
0x57: {  	s13 =	sadd.s32 s13, s9;
	[sflag:s6] =	ssyncset.done $0x0  }
0x58: {  	s17 =	sadd.s32 $0x0, s13;
	s16 =	simm.s32 $0x80;
	[sflag:s6] =	ssyncadd.s32 $0xFFFF9C00  }
.LBB2_5:
0x59: {  	[hbm:s17] =	stream.linear.scatter [tilespmem:s14], [sflag:$0x3], $0x400, $0x38;
	[tilespmem:$0xC990] =	vst v63  }
0x5a: {  	s17 =	smov.u32 s16;
	s14 =	smov.u32 s15;
	p1 =	sne.s32 s16, $0xC00  }
.Ltmp4:
0x5b: {  	s16 =	sadd.s32 $0x80, s16;
	(pc) =	sbr.rel @p1 .LBB2_5-.Ltmp4, $2  }
0x5c: {  	_ =	sdelay $0x2  }
0x5d: {  	s15 =	sadd.s32 $0x400, s15;
	s17 =	sadd.s32 s17, s13  }
.Ltmp5:
0x5e: {  	_ = 	snop;
	(pc) =	sbr.rel .LBB2_6-.Ltmp5, $1  }
0x5f: {  	_ =	sdelay $0x3  }
.LBB2_8:
0x60: {  	_ =	sfence.sel $0x180000  }
0x61: {  	s1 =	simm.s32 $0x2;
	[bflag:$0x0] =	sbarrier.arrive $0xFFFF  }
0x62: {  	s30 =	simm.s32 $0x3;
	[sflag:s1] =	ssyncpa.u1 $0x1  }
0x63: {  	s31 =	simm.s32 $0x1;
	[sflag:s30] =	ssyncpa.u1 $0x1  }
0x64: {  	[sflag:s31] =	ssyncpa.u1 $0x1  }
0x65: {  	p0 =	sne.s32 s0, $0x0;
	_ =	strace $0x90000047  }
0x66: {  	s0 =	sadd.s32 @!p0 $0x100000, s2;
	[bflag:$0x2] =	sbarrier.arrive $0xFFFF  }
0x67: {  	[sflag:s0] =	ssyncadd.tile.s32 @!p0 $0x1;
	_ =	shalt  }
.Lfunc_end2:
_tile_overlayer_lowered:
.L_overlay_start_2:
0x68: {  	(tag) =	ssettag $0x2  }
0x69: {  	s0 =	rddreg [dreg:$0x0];
	s2 =	stileid.u32  }
0x6a: {  	s1 =	rddreg [dreg:$0x1];
	p0 =	sne.s32 s2, $0x0  }
0x6b: {  	s3 =	rddreg [dreg:$0x2];
	[bflag:$0x3] =	sbarrier.arrive $0xFFFF;
	s2 =	simm.s32 @!p0 $0x1C01  }
0x6c: {  	[timem:s3], [sflag:s2] =	dma.local @!p0 [hbm:s0], s1  }
0x6d: {  	s0 =	simm.s32 @!p0 $0x1  }
0x6e: {  	_ =	swait.ge @!p0 [sflag:s0], s1  }
0x6f: {  	s1 =	ssub.s32 @!p0 $0x0, s1;
	[sflag:s0] =	ssyncset.done @!p0 $0x0  }
0x70: {  	[sflag:s0] =	ssyncadd.s32 @!p0 s1  }
0x71: {  	[bflag:$0x3] =	sbarrier.arrive $0xFFFF  }
0x72: {  	_ =	shalt  }

</sc_bundles>
